<compile_context>
chip_gen: v7x
topology: tpu7x:2x2x1
jax: 0.10.2.dev20260603
libtpu: 0.0.44.dev20260713+nightly
codegen_flags: <defaults>
</compile_context>

<pallas_src>
import jax
import jax.numpy as jnp
from jax import lax
from jax.experimental import pallas as pl
from jax.experimental.pallas import tpu as pltpu

K = 4


def _score_rank_body(x_ref, w_ref, out_ref):
    _, T, HW, C = x_ref.shape
    fsum = jnp.sum(x_ref[...], axis=2)
    feat = fsum * (1.0 / HW)
    fb = feat.astype(jnp.bfloat16).astype(jnp.float32)
    wb = w_ref[...].astype(jnp.bfloat16).astype(jnp.float32)
    s = jnp.sum(fb * wb[:, None, :], axis=2)
    sj = jnp.broadcast_to(s[:, None, :], (1, T, T))
    st = jnp.broadcast_to(s[:, :, None], (1, T, T))
    jj = lax.broadcasted_iota(jnp.int32, (1, T, T), 2)
    tt = lax.broadcasted_iota(jnp.int32, (1, T, T), 1)
    before = (sj > st) | ((sj == st) & (jj < tt))
    rank = jnp.sum(before.astype(jnp.int32), axis=2)
    rk = jnp.broadcast_to(rank[:, None, :], (1, T, T))
    inds = jnp.sum(jnp.where(rk == tt, jj, 0), axis=2)
    out_ref[...] = inds[:, None, :]


def _topk_body(inds_ref, x_ref, topk_ref):
    j = pl.program_id(1)
    topk_ref[0, :, j, :] = x_ref[0, 0, :, :]


def _back_body(inds_ref, x_ref, back_ref):
    back_ref[...] = x_ref[...]


def kernel(x, x_cls, score_w, score_b):
    B, C, T, H, W = x.shape
    HW = H * W
    NK = T - K
    w2 = score_w.reshape(1, C)

    xq = jnp.transpose(x.reshape(B, C, T, HW), (0, 2, 3, 1))

    sorted_inds = pl.pallas_call(
        _score_rank_body,
        grid=(B,),
        in_specs=[
            pl.BlockSpec((1, T, HW, C), lambda b: (b, 0, 0, 0)),
            pl.BlockSpec((1, C), lambda b: (0, 0)),
        ],
        out_specs=pl.BlockSpec((1, 1, T), lambda b: (b, 0, 0)),
        out_shape=jax.ShapeDtypeStruct((B, 1, T), jnp.int32),
    )(xq, w2)
    inds2 = sorted_inds.reshape(B, T)

    topk4 = pl.pallas_call(
        _topk_body,
        grid_spec=pltpu.PrefetchScalarGridSpec(
            num_scalar_prefetch=1,
            grid=(B, K),
            in_specs=[
                pl.BlockSpec(
                    (1, 1, HW, C),
                    lambda b, j, inds: (b, inds[b, j], 0, 0),
                ),
            ],
            out_specs=pl.BlockSpec(
                (1, HW, K, C), lambda b, j, inds: (b, 0, 0, 0)
            ),
        ),
        out_shape=jax.ShapeDtypeStruct((B, HW, K, C), jnp.float32),
    )(inds2, xq)

    back4 = pl.pallas_call(
        _back_body,
        grid_spec=pltpu.PrefetchScalarGridSpec(
            num_scalar_prefetch=1,
            grid=(B, NK),
            in_specs=[
                pl.BlockSpec(
                    (1, 1, HW, C),
                    lambda b, j, inds: (b, inds[b, j + K], 0, 0),
                ),
            ],
            out_specs=pl.BlockSpec(
                (1, 1, HW, C), lambda b, j, inds: (b, j, 0, 0)
            ),
        ),
        out_shape=jax.ShapeDtypeStruct((B, NK, HW, C), jnp.float32),
    )(inds2, xq)

    frames_topk = topk4.reshape(B, H, W, K, C)
    frames_back = jnp.transpose(back4, (0, 3, 1, 2)).reshape(B, C, NK, H, W)
    return (frames_topk, frames_back)

# --- scband reference (transcript-rebuilt; emitter-appended) ---
"""Pipeline reference for scband-diff-context-aware-compression-module-30588757082731 (READ-ONLY COPY).

The authoritative reference and input builder live on the scoring server;
editing this copy changes nothing except your own understanding.
"""

import jax, jax.numpy as jnp
import numpy as np

K = 4  # number of keyframes (init kwarg k)


def setup_inputs(seed: int = 0) -> dict:
    key = jax.random.key(seed)
    k1, k2, k3 = jax.random.split(key, 3)
    x = jax.random.normal(k1, (16, 128, 32, 28, 28), dtype=jnp.float32)
    x_cls = jax.random.normal(k2, (16, 128), dtype=jnp.float32)
    # PerturbedRank score net: per-frame scalar score = Linear(C -> 1) on globally pooled frame features
    score_w = jax.random.normal(k3, (128,), dtype=jnp.float32) * (1.0 / np.sqrt(128.0))
    score_b = jnp.zeros((), dtype=jnp.float32)
    return {"x": x, "x_cls": x_cls, "score_w": score_w, "score_b": score_b}


def reference(x, x_cls, score_w, score_b):
    # strategy='wo_diff_rank': PerturbedRank with do_train=False -> plain (non-perturbed) ranking
    B, C, T, H, W = x.shape
    k = K
    # frame scores: global average pool over space, then linear head
    feat = jnp.mean(x, axis=(3, 4))              # [B, C, T]
    feat = jnp.transpose(feat, (0, 2, 1))        # [B, T, C]
    scores = feat @ score_w + score_b            # [B, T]
    sorted_inds = jnp.argsort(-scores, axis=1)   # [B, T], descending by score
    topk_inds = sorted_inds[:, :k]               # [B, k]
    back_inds = sorted_inds[:, k:]               # [B, T-k]
    # gather top-k frames and background frames along the temporal axis
    idx_t = topk_inds[:, None, :, None, None]
    frames_topk = jnp.take_along_axis(x, idx_t, axis=2)   # [B, C, k, H, W]
    idx_b = back_inds[:, None, :, None, None]
    frames_back = jnp.take_along_axis(x, idx_b, axis=2)   # [B, C, T-k, H, W]
    # 'krc' compression: 4x spatial downsample of background frames (computed as in forward;
    # not part of the returned value when return_index=False)
    nk = T - k
    frames_back_lowres = frames_back.reshape(B, C, nk, H // 4, 4, W // 4, 4).mean(axis=(4, 6))
    frames_back_lowres = jnp.transpose(frames_back_lowres, (0, 3, 4, 2, 1))  # b h w nk c
    # rearrange 'b c k h w -> b h w k c'
    frames_topk_r = jnp.transpose(frames_topk, (0, 3, 4, 2, 1))
    # return_index=False path returns (frames_topk, frames_back)
    return (frames_topk_r, frames_back)

if __name__ == "__main__":
    import jax
    _d = setup_inputs()
    print(jax.jit(kernel)(*tuple(_d.values())))

</pallas_src>

<mosaic_0001>
module attributes {stable_mosaic.version = 14 : i64} {
  func.func @_back_body(%arg0: i32, %arg1: i32, %arg2: memref<16x32xi32, #tpu.memory_space<smem>>, %arg3: memref<1x1x784x128xf32, #tpu.memory_space<vmem>>, %arg4: memref<1x1x784x128xf32, #tpu.memory_space<vmem>>) attributes {dimension_semantics = [#tpu.dimension_semantics<arbitrary>, #tpu.dimension_semantics<arbitrary>], iteration_bounds = array<i64: 16, 28>, scalar_prefetch = 1 : i64, scratch_operands = 0 : i64, tpu.core_type = #tpu.core_type<tc>, window_params = [{transform_indices = @transform_0, window_bounds = array<i64: 1, 1, 784, 128>}, {transform_indices = @transform_1, window_bounds = array<i64: 1, 1, 784, 128>}]} {
    %get3A = arith.constant 0 : index
    %get3A_0 = arith.constant 0 : index
    %get3A_1 = arith.constant 0 : index
    %get3A_2 = arith.constant 0 : index
    %get3A_3 = vector.load %arg3[%get3A, %get3A_0, %get3A_1, %get3A_2] : memref<1x1x784x128xf32, #tpu.memory_space<vmem>>, vector<1x1x784x128xf32>
    %swap3A = arith.constant 0 : index
    %swap3A_4 = arith.constant 0 : index
    %swap3A_5 = arith.constant 0 : index
    %swap3A_6 = arith.constant 0 : index
    %swap3A_7 = vector.load %arg4[%swap3A, %swap3A_4, %swap3A_5, %swap3A_6] : memref<1x1x784x128xf32, #tpu.memory_space<vmem>>, vector<1x1x784x128xf32>
    tpu.vector_store %arg4[%swap3A, %swap3A_4, %swap3A_5, %swap3A_6], %get3A_3 {strides = array<i32>} : memref<1x1x784x128xf32, #tpu.memory_space<vmem>>, vector<1x1x784x128xf32>,
    return
  }
  func.func @transform_0(%arg0: i32, %arg1: i32, %arg2: memref<16x32xi32, #tpu.memory_space<smem>>) -> (i32, i32, i32, i32) {
    %add3A = arith.constant 4 : i32
    %add3A_0 = arith.addi %arg1, %add3A : i32
    %get3A = arith.index_cast %arg0 : i32 to index
    %get3A_1 = arith.index_cast %add3A_0 : i32 to index
    %get3A_2 = memref.load %arg2[%get3A, %get3A_1] : memref<16x32xi32, #tpu.memory_space<smem>>
    %c0_i32 = arith.constant 0 : i32
    %c0_i32_3 = arith.constant 0 : i32
    %c0_i32_4 = arith.constant 0 : i32
    return %arg0, %get3A_2, %c0_i32, %c0_i32_3 : i32, i32, i32, i32
  }
  func.func @transform_1(%arg0: i32, %arg1: i32, %arg2: memref<16x32xi32, #tpu.memory_space<smem>>) -> (i32, i32, i32, i32) {
    %c0_i32 = arith.constant 0 : i32
    %c0_i32_0 = arith.constant 0 : i32
    %c0_i32_1 = arith.constant 0 : i32
    return %arg0, %arg1, %c0_i32, %c0_i32_0 : i32, i32, i32, i32
  }
}

module attributes {stable_mosaic.version = 14 : i64} {
  func.func @_topk_body(%arg0: i32, %arg1: i32, %arg2: memref<16x32xi32, #tpu.memory_space<smem>>, %arg3: memref<1x1x784x128xf32, #tpu.memory_space<vmem>>, %arg4: memref<1x784x4x128xf32, #tpu.memory_space<vmem>>) attributes {dimension_semantics = [#tpu.dimension_semantics<arbitrary>, #tpu.dimension_semantics<arbitrary>], iteration_bounds = array<i64: 16, 4>, scalar_prefetch = 1 : i64, scratch_operands = 0 : i64, tpu.core_type = #tpu.core_type<tc>, window_params = [{transform_indices = @transform_0, window_bounds = array<i64: 1, 1, 784, 128>}, {transform_indices = @transform_1, window_bounds = array<i64: 1, 784, 4, 128>}]} {
    %get3A = arith.constant 0 : index
    %get3A_0 = arith.constant 0 : index
    %get3A_1 = arith.constant 0 : index
    %get3A_2 = arith.constant 0 : index
    %get3A_3 = vector.load %arg3[%get3A, %get3A_0, %get3A_1, %get3A_2] : memref<1x1x784x128xf32, #tpu.memory_space<vmem>>, vector<1x1x784x128xf32>
    %get3A_4 = vector.shape_cast %get3A_3 : vector<1x1x784x128xf32> to vector<784x128xf32>
    %swap3A = arith.constant 0 : index
    %swap3A_5 = arith.constant 0 : index
    %swap3A_6 = arith.index_cast %arg1 : i32 to index
    %swap3A_7 = arith.constant 0 : index
    %swap3A_8 = vector.load %arg4[%swap3A, %swap3A_5, %swap3A_6, %swap3A_7] : memref<1x784x4x128xf32, #tpu.memory_space<vmem>>, vector<1x784x1x128xf32>
    %swap3A_9 = vector.shape_cast %swap3A_8 : vector<1x784x1x128xf32> to vector<784x128xf32>
    %swap3A_10 = vector.shape_cast %get3A_4 : vector<784x128xf32> to vector<1x784x1x128xf32>
    tpu.vector_store %arg4[%swap3A, %swap3A_5, %swap3A_6, %swap3A_7], %swap3A_10 {strides = array<i32>} : memref<1x784x4x128xf32, #tpu.memory_space<vmem>>, vector<1x784x1x128xf32>,
    return
  }
  func.func @transform_0(%arg0: i32, %arg1: i32, %arg2: memref<16x32xi32, #tpu.memory_space<smem>>) -> (i32, i32, i32, i32) {
    %get3A = arith.index_cast %arg0 : i32 to index
    %get3A_0 = arith.index_cast %arg1 : i32 to index
    %get3A_1 = memref.load %arg2[%get3A, %get3A_0] : memref<16x32xi32, #tpu.memory_space<smem>>
    %c0_i32 = arith.constant 0 : i32
    %c0_i32_2 = arith.constant 0 : i32
    %c0_i32_3 = arith.constant 0 : i32
    return %arg0, %get3A_1, %c0_i32, %c0_i32_2 : i32, i32, i32, i32
  }
  func.func @transform_1(%arg0: i32, %arg1: i32, %arg2: memref<16x32xi32, #tpu.memory_space<smem>>) -> (i32, i32, i32, i32) {
    %c0_i32 = arith.constant 0 : i32
    %c0_i32_0 = arith.constant 0 : i32
    %c0_i32_1 = arith.constant 0 : i32
    %c0_i32_2 = arith.constant 0 : i32
    return %arg0, %c0_i32, %c0_i32_0, %c0_i32_1 : i32, i32, i32, i32
  }
}

module attributes {stable_mosaic.version = 14 : i64} {
  func.func @_score_rank_body(%arg0: i32, %arg1: memref<1x32x784x128xf32, #tpu.memory_space<vmem>>, %arg2: memref<1x128xf32, #tpu.memory_space<vmem>>, %arg3: memref<1x1x32xi32, #tpu.memory_space<vmem>>) attributes {dimension_semantics = [#tpu.dimension_semantics<arbitrary>], iteration_bounds = array<i64: 16>, scalar_prefetch = 0 : i64, scratch_operands = 0 : i64, tpu.core_type = #tpu.core_type<tc>, window_params = [{transform_indices = @transform_0, window_bounds = array<i64: 1, 32, 784, 128>}, {pipeline_mode = #tpu.pipeline_mode<synchronous>, transform_indices = @transform_1, window_bounds = array<i64: 1, 128>}, {transform_indices = @transform_2, window_bounds = array<i64: 1, 1, 32>}]} {
    %get3A = arith.constant 0 : index
    %get3A_0 = arith.constant 0 : index
    %get3A_1 = arith.constant 0 : index
    %get3A_2 = arith.constant 0 : index
    %get3A_3 = vector.load %arg1[%get3A, %get3A_0, %get3A_1, %get3A_2] : memref<1x32x784x128xf32, #tpu.memory_space<vmem>>, vector<1x32x784x128xf32>
    %reduce_sum3A = arith.constant dense<0.000000e+00> : vector<1x32x128xf32>
    %reduce_sum3A_4 = vector.multi_reduction <add>, %get3A_3, %reduce_sum3A [2] : vector<1x32x784x128xf32> to vector<1x32x128xf32>
    %mul3A = arith.constant 0.00127551018 : f32
    %mul3A_5 = vector.broadcast %mul3A : f32 to vector<1x32x128xf32>
    %mul3A_6 = arith.mulf %reduce_sum3A_4, %mul3A_5 : vector<1x32x128xf32>
    %convert_element_type3A = arith.truncf %mul3A_6 : vector<1x32x128xf32> to vector<1x32x128xbf16>
    %convert_element_type3A_7 = arith.extf %convert_element_type3A : vector<1x32x128xbf16> to vector<1x32x128xf32>
    %get3A_8 = arith.constant 0 : index
    %get3A_9 = arith.constant 0 : index
    %get3A_10 = vector.load %arg2[%get3A_8, %get3A_9] : memref<1x128xf32, #tpu.memory_space<vmem>>, vector<1x128xf32>
    %convert_element_type3A_11 = arith.truncf %get3A_10 : vector<1x128xf32> to vector<1x128xbf16>
    %convert_element_type3A_12 = arith.extf %convert_element_type3A_11 : vector<1x128xbf16> to vector<1x128xf32>
    %broadcast_in_dim3A = vector.shape_cast %convert_element_type3A_12 : vector<1x128xf32> to vector<1x1x128xf32>
    %mul3A_13 = vector.broadcast %broadcast_in_dim3A : vector<1x1x128xf32> to vector<1x32x128xf32>
    %mul3A_14 = arith.mulf %convert_element_type3A_7, %mul3A_13 : vector<1x32x128xf32>
    %reduce_sum3A_15 = arith.constant dense<0.000000e+00> : vector<1x32xf32>
    %reduce_sum3A_16 = vector.multi_reduction <add>, %mul3A_14, %reduce_sum3A_15 [2] : vector<1x32x128xf32> to vector<1x32xf32>
    %broadcast_in_dim3A_17 = vector.shape_cast %reduce_sum3A_16 : vector<1x32xf32> to vector<1x1x32xf32>
    %broadcast_in_dim3A_18 = vector.shape_cast %broadcast_in_dim3A_17 : vector<1x1x32xf32> to vector<1x1x32xf32>
    %broadcast_in_dim3A_19 = vector.broadcast %broadcast_in_dim3A_18 : vector<1x1x32xf32> to vector<1x32x32xf32>
    %broadcast_in_dim3A_20 = vector.shape_cast %reduce_sum3A_16 : vector<1x32xf32> to vector<1x32x1xf32>
    %broadcast_in_dim3A_21 = vector.shape_cast %broadcast_in_dim3A_20 : vector<1x32x1xf32> to vector<1x32x1xf32>
    %broadcast_in_dim3A_22 = vector.broadcast %broadcast_in_dim3A_21 : vector<1x32x1xf32> to vector<1x32x32xf32>
    %iota3A = tpu.iota {dimensions = array<i32: 2>} : vector<1x32x32xi32>
    %iota3A_23 = tpu.iota {dimensions = array<i32: 1>} : vector<1x32x32xi32>
    %gt3A = arith.cmpf ogt, %broadcast_in_dim3A_19, %broadcast_in_dim3A_22 : vector<1x32x32xf32>
    %eq3A = arith.cmpf oeq, %broadcast_in_dim3A_19, %broadcast_in_dim3A_22 : vector<1x32x32xf32>
    %lt3A = arith.cmpi slt, %iota3A, %iota3A_23 : vector<1x32x32xi32>
    %and3A = arith.andi %eq3A, %lt3A : vector<1x32x32xi1>
    %or3A = arith.ori %gt3A, %and3A : vector<1x32x32xi1>
    %convert_element_type3A_24 = arith.extui %or3A : vector<1x32x32xi1> to vector<1x32x32xi32>
    %reduce_sum3A_25 = arith.constant dense<0> : vector<1x32xi32>
    %reduce_sum3A_26 = vector.multi_reduction <add>, %convert_element_type3A_24, %reduce_sum3A_25 [2] : vector<1x32x32xi32> to vector<1x32xi32>
    %broadcast_in_dim3A_27 = vector.shape_cast %reduce_sum3A_26 : vector<1x32xi32> to vector<1x1x32xi32>
    %broadcast_in_dim3A_28 = vector.shape_cast %broadcast_in_dim3A_27 : vector<1x1x32xi32> to vector<1x1x32xi32>
    %broadcast_in_dim3A_29 = vector.broadcast %broadcast_in_dim3A_28 : vector<1x1x32xi32> to vector<1x32x32xi32>
    %eq3A_30 = arith.cmpi eq, %broadcast_in_dim3A_29, %iota3A_23 : vector<1x32x32xi32>
    %jit3A = arith.constant 0 : i32
    %broadcast_in_dim3A_31 = vector.broadcast %jit3A : i32 to vector<1x32x32xi32>
    %select_n3A = arith.select %eq3A_30, %iota3A, %broadcast_in_dim3A_31 : vector<1x32x32xi1>, vector<1x32x32xi32>
    %reduce_sum3A_32 = arith.constant dense<0> : vector<1x32xi32>
    %reduce_sum3A_33 = vector.multi_reduction <add>, %select_n3A, %reduce_sum3A_32 [2] : vector<1x32x32xi32> to vector<1x32xi32>
    %broadcast_in_dim3A_34 = vector.shape_cast %reduce_sum3A_33 : vector<1x32xi32> to vector<1x1x32xi32>
    %swap3A = arith.constant 0 : index
    %swap3A_35 = arith.constant 0 : index
    %swap3A_36 = arith.constant 0 : index
    %swap3A_37 = vector.load %arg3[%swap3A, %swap3A_35, %swap3A_36] : memref<1x1x32xi32, #tpu.memory_space<vmem>>, vector<1x1x32xi32>
    tpu.vector_store %arg3[%swap3A, %swap3A_35, %swap3A_36], %broadcast_in_dim3A_34 {strides = array<i32>} : memref<1x1x32xi32, #tpu.memory_space<vmem>>, vector<1x1x32xi32>,
    return
  }
  func.func @transform_0(%arg0: i32) -> (i32, i32, i32, i32) {
    %c0_i32 = arith.constant 0 : i32
    %c0_i32_0 = arith.constant 0 : i32
    %c0_i32_1 = arith.constant 0 : i32
    %c0_i32_2 = arith.constant 0 : i32
    return %arg0, %c0_i32, %c0_i32_0, %c0_i32_1 : i32, i32, i32, i32
  }
  func.func @transform_1(%arg0: i32) -> (i32, i32) {
    %c0_i32 = arith.constant 0 : i32
    %c0_i32_0 = arith.constant 0 : i32
    %c0_i32_1 = arith.constant 0 : i32
    return %c0_i32, %c0_i32_0 : i32, i32
  }
  func.func @transform_2(%arg0: i32) -> (i32, i32, i32) {
    %c0_i32 = arith.constant 0 : i32
    %c0_i32_0 = arith.constant 0 : i32
    %c0_i32_1 = arith.constant 0 : i32
    return %arg0, %c0_i32, %c0_i32_0 : i32, i32, i32
  }
}

</mosaic_0001>

<sc_bundles>
// kernel: sparse-core-data-format-call.1.cloned.1.call-start
scs
called_computation.1_lowered:
.L_overlay_start_0:
0x0: {  	s2 =	sld [smem:$0x3FD9]  }
0x1: {  	s3 =	sld [smem:$0x3FFE];
	_ =	sdelay $0x1  }
0x2: {  	s1 =	srdreg.scid  }
0x3: {  	s0 =	sand.u32 $0x1, s1  }
0x4: {  	s18 =	sshll.u32 s0, $0xA;
	s2 =	sadd.s32 s3, s2  }
0x5: {  	s2 =	sadd.s32 s2, s18  }
0x6: {  	[smem:$0x3FC6] =	sst s2  }
0x7: {  	_ = 	snop  }
0x8: {  	s2 =	sld [smem:$0x3FC9];
	(tm) =	ssettm $0x1  }
0x9: {  	s19 =	sld [smem:$0x3FFB];
	_ =	sdelay $0x3  }
0xa: {  	_ =	strace s19  }
0xb: {  	s3 =	sld [smem:$0x3FFC];
	_ =	sdelay $0x3  }
0xc: {  	_ =	strace s3  }
0xd: {  	s3 =	sld [smem:$0x3FFD];
	_ =	sdelay $0x3  }
0xe: {  	_ =	strace s3  }
0xf: {  	_ =	strace $0x8FFFFFFF  }
0x10: {  	s20 =	sld [smem:$0x3FDB];
	_ =	sdelay $0x1  }
0x11: {  	s4 =	simm.s32 $_scs_section_size  }
0x12: {  	s5 =	simm.s32 $_size__tile_overlayer_lowered;
	s6 =	simm.s32 $_tile_overlayer_lowered  }
0x13: {  	s23 =	simm.s32 $0x1BFF;
	s22 =	sshll.u32 s6, $0x1;
	s3 =	sadd.s32 s4, s20  }
0x14: {  	s7 =	simm.s32 $0x0;
	s21 =	sshll.u32 s5, $0x1;
	s5 =	sadd.s32 s22, s3  }
0x15: {  	[timem:s7], [sflag:s23] =	dma.local [hbm:s5], s21  }
0x16: {  	_ =	swait.ge [sflag:s23], s21  }
0x17: {  	s4 =	ssub.s32 $0x0, s21;
	[sflag:s23] =	ssyncset.done $0x0  }
0x18: {  	[sflag:s23] =	ssyncadd.s32 s4;
	_ =	sdelay $0x1  }
0x19: {  	s24 =	simm.s32 $0x1B8B  }
0x1a: {  	_ =	swait.ge [sflag:s24], $0x1  }
0x1b: {  	[sflag:s24] =	ssyncset.done $0x0  }
0x1c: {  	s26 =	simm.s32 $0x1B8E;
	s25 =	sld [smem:$0x3FFE];
	[sflag:s24] =	ssyncadd.s32 $0xFFFFFFFF  }
0x1d: {  	s27 =	simm.s32 $execute0_lowered;
	[smem:$0x3FD2] =	sst s26  }
0x1e: {  	s5 =	sshll.u32 s27, $0x1;
	_ =	strace $0x80000046;
	[dreg:$0x1] =	wrdreg $0xFFFFFFFF  }
0x1f: {  	s28 =	simm.s32 $_size_execute0_lowered;
	s3 =	sadd.s32 s3, s5;
	[dreg:$0x0] =	wrdreg $0x0  }
0x20: {  	s5 =	sshll.u32 s28, $0x1;
	[dreg:$0x2] =	wrdreg s3  }
0x21: {  	[dreg:$0x3] =	wrdreg s5  }
0x22: {  	[dreg:$0x4] =	wrdreg $0xC0  }
0x23: {  	_ =	task [dreg:s7], $0x5FFFF  }
0x24: {  	[dreg:$0x1] =	wrdreg $0xFFFFFFFF  }
0x25: {  	[dreg:$0x0] =	wrdreg $0x60  }
0x26: {  	[dreg:$0x2] =	wrdreg s2  }
0x27: {  	[dreg:$0x3] =	wrdreg s25  }
0x28: {  	[dreg:$0x4] =	wrdreg $0x9  }
0x29: {  	_ =	task.clear_ibuf [dreg:s7], $0x5FFFF;
	_ =	strace $0x90000046  }
0x2a: {  	s29 =	simm.s32 $0x9;
	_ =	strace $0x80000048  }
0x2b: {  	_ =	swait.ge [sflag:s29], $0x1  }
0x2c: {  	[sflag:s29] =	ssyncadd.s32 $0xFFFFFFFF  }
0x2d: {  	_ =	strace $0x90000048  }
0x2e: {  	_ =	sfence  }
0x2f: {  	s30 =	sld [smem:$0x0];
	_ =	sdelay $0x2  }
0x30: {  	s31 =	sshll.u32 s1, $0xD;
	s1 =	sshrl.u32 s1, $0x2  }
0x31: {  	s3 =	sand.u32 $0x4000, s31;
	s1 =	sadd.s32 s1, s30  }
0x32: {  	s0 =	sor.u32 s3, s0;
	s1 =	sshll.u32 s1, $0x11  }
0x33: {  	s0 =	sor.u32 s1, s0  }
0x34: {  	s0 =	sadd.s32 $0x8F2B, s0  }
0x35: {  	[sflag:s0] =	ssyncadd.remote.s32 $0x1  }
0x36: {  	_ =	sfence.sel $0xFFFF  }
0x37: {  	[dreg:$0x0] =	wrdreg $0xFFFFFFFF;
	(pc) =	sbr.abs _section_cstart, $3  }
0x38: {  	[dreg:$0x1] =	wrdreg $0xFFFFFFFF  }
0x39: {  	_ =	task.clear_ibuf [dreg:s7], $0x2FFFF;
	_ =	strace $0x9FFFFFFF  }
0x3a: {  	(tm) =	ssettm $0x7FFFFFFF  }
0x3b: {  	_ =	shalt  }
tec
execute0_lowered:
.L_overlay_start_1:
0x0: {  	(tag) =	ssettag $0x1  }
0x1: {  	s1 =	rddreg [dreg:$0x0]  }
0x2: {  	s0 =	srdreg.scid;
	s2 =	rddreg [dreg:$0x1];
	s5 =	simm.s32 $0x1  }
0x3: {  	s8 =	simm.s32 $0x2;
	s14 =	simm.s32 $0x0;
	s9 =	simm.s32 $0x18800  }
0x4: {  	s10 =	simm.s32 $0x0;
	s15 =	simm.s32 $0x0;
	s3 =	sshll.u32 s0, $0x2  }
0x5: {  	s12 =	stileid.u32;
	s13 =	simm.s32 $0x0;
	s3 =	sand.u32 $0x4, s3  }
.Ltmp0:
0x6: {  	s0 =	rddreg [dreg:$0x2];
	s6 =	ssub.s32 $0x310, s3;
	(pc) =	sbr.rel .LBB1_1-.Ltmp0, $4  }
0x7: {  	_ =	strace $0x80000047;
	s4 =	sadd.s32 $0xE00, s2;
	s7 =	sshrl.u32 s6, $0x2  }
0x8: {  	[sflag:s5] =	ssyncpa.u1 $0x0;
	s6 =	sshrl.u32 s6, $0x3;
	s7 =	sand.u32 $0x1, s7  }
0x9: {  	s2 =	stileid.u32;
	[sflag:s8] =	ssyncpa.u1 $0x0;
	s6 =	sadd.s32 s6, s7  }
0xa: {  	s8 =	simm.s32 $0x200;
	s11 =	smov.u32 s3;
	s7 =	sadd.s32 $0x1, s6  }
.LBB1_7:
0xb: {  	s16 =	sadd.s32 $0x8, s11  }
0xc: {  	s14 =	sadd.s32 $0x10, s12;
	s18 =	smov.u32 s12;
	p1 =	sgt.s32 s16, $0x30F  }
0xd: {  	s18 =	smov.u32 @p1 s14  }
0xe: {  	s16 =	smov.u32 @p1 s3;
	p1 =	sgt.s32 s18, $0xF  }
0xf: {  	s18 =	smov.u32 @p1 s2;
	p1 =	sne.s32 s13, s7  }
.Ltmp1:
0x10: {  	p0 =	slt.u32 s13, $0x2;
	(pc) =	sbr.rel @!p1 .LBB1_8-.Ltmp1, $4  }
0x11: {  	s17 =	simm.s32 @!p0 $0x2  }
0x12: {  	s15 =	smov.u32 s12;
	s10 =	sadd.s32 $0x4000, s10;
	_ =	swait.ge @!p0 [sflag:s17], $0x4000  }
0x13: {  	s14 =	smov.u32 s11;
	[sflag:s17] =	ssyncset.done @!p0 $0x0;
	s11 =	smov.u32 s16  }
0x14: {  	s13 =	sadd.s32 $0x1, s13;
	[sflag:s17] =	ssyncadd.s32 @!p0 $0xFFFFC000;
	s12 =	smov.u32 s18  }
.LBB1_1:
0x15: {  	p0 =	sge.u32 s13, s6  }
0x16: {  	s16 =	smul.u32 @!p0 $0x62000, s12  }
0x17: {  	s31 =	sadd.s32 $0xFFFFFFFF, s13;
	s17 =	sxor.u32 @!p0 $0xFFFFFFFF, s13  }
0x18: {  	s18 =	sshll.u32 @!p0 s11, $0x9;
	s17 =	sshll.u32 @!p0 s17, $0xE;
	s16 =	sadd.s32 @!p0 s1, s16  }
0x19: {  	s17 =	sand.u32 @!p0 $0x4000, s17;
	s16 =	sadd.s32 @!p0 s18, s16;
	s18 =	simm.s32 @!p0 $0x0  }
0x1a: {  	[tilespmem:s17], [sflag:$0x1] =	stream.linear.gather @!p0 [hbm4b:s16+s18], $0x4000, $0x38;
	[tilespmem:$0x10000] =	vst v63  }
0x1b: {  	p0 =	sge.u32 s31, s6  }
.Ltmp2:
0x1c: {  	_ = 	snop;
	(pc) =	sbr.rel @p0 .LBB1_7-.Ltmp2, $1  }
0x1d: {  	_ =	sdelay $0x3  }
0x1e: {  	s16 =	sand.u32 $0x4000, s10  }
0x1f: {  	_ =	swait.ge [sflag:s5], $0x4000;
	s19 =	sshll.u32 s13, $0xE;
	s17 =	sor.u32 $0x8040, s16  }
0x20: {  	s18 =	sor.u32 $0x40, s16;
	[sflag:s5] =	ssyncset.done $0x0;
	s31 =	sand.u32 $0x4000, s19  }
0x21: {  	s19 =	simm.s32 $0x0;
	[sflag:s5] =	ssyncadd.s32 $0xFFFFC000;
	s16 =	sor.u32 $0x8000, s31  }
.LBB1_3:
0x22: {  	v0 =	vmov s18;
	_ =	sdelay $0x3  }
0x23: {  	s21 =	simm.s32 $0x0  }
0x24: {  	v6 =	vld.idx.msk [tilespmem:v0+s21+$0x30 ss:$0x1], $0xffff  }
0x25: {  	v7 =	vld.idx.msk [tilespmem:v0+s21+$0xFFFFFFC0 ss:$0x1], $0xffff  }
0x26: {  	v5 =	vld.idx.msk [tilespmem:v0+s21+$0xFFFFFFD0 ss:$0x1], $0xffff  }
0x27: {  	v4 =	vld.idx.msk [tilespmem:v0+s21+$0xFFFFFFE0 ss:$0x1], $0xffff  }
0x28: {  	v3 =	vld.idx.msk [tilespmem:v0+s21+$0xFFFFFFF0 ss:$0x1], $0xffff  }
0x29: {  	v1 =	vld.idx.msk [tilespmem:v0+s21+$0x0 ss:$0x1], $0xffff  }
0x2a: {  	v2 =	vld.idx.msk [tilespmem:v0+s21+$0x10 ss:$0x1], $0xffff;
	[tilespmem:s17+$0x30] =	vst v6  }
0x2b: {  	s20 =	simm.s32 $0x80;
	s22 =	simm.s32 $0x400;
	[tilespmem:s17+$0xFFFFFFC0] =	vst v7;
	v6 =	vld.idx.msk [tilespmem:v0+s21+$0x20 ss:$0x1], $0xffff;
	s21 =	smov.u32 s17  }
.LBB1_4:
0x2c: {  	p0 =	sne.s32 s22, $0x3E00;
	v7 =	vld.idx.msk [tilespmem:v0+s20+$0x30 ss:$0x1], $0xffff;
	[tilespmem:s21+$0xFFFFFFD0] =	vst v5  }
0x2d: {  	v8 =	vld.idx.msk [tilespmem:v0+s20+$0xFFFFFFC0 ss:$0x1], $0xffff;
	[tilespmem:s21+$0xFFFFFFE0] =	vst v4  }
0x2e: {  	v5 =	vld.idx.msk [tilespmem:v0+s20+$0xFFFFFFD0 ss:$0x1], $0xffff;
	[tilespmem:s21+$0xFFFFFFF0] =	vst v3  }
.Ltmp3:
0x2f: {  	v4 =	vld.idx.msk [tilespmem:v0+s20+$0xFFFFFFE0 ss:$0x1], $0xffff;
	[tilespmem:s21+$0x0] =	vst v1;
	(pc) =	sbr.rel @p0 .LBB1_4-.Ltmp3, $4  }
0x30: {  	v3 =	vld.idx.msk [tilespmem:v0+s20+$0xFFFFFFF0 ss:$0x1], $0xffff;
	[tilespmem:s21+$0x10] =	vst v2  }
0x31: {  	v1 =	vld.idx.msk [tilespmem:v0+s20+$0x0 ss:$0x1], $0xffff;
	[tilespmem:s21+$0x20] =	vst v6;
	s21 =	sadd.s32 $0x200, s21  }
0x32: {  	v2 =	vld.idx.msk [tilespmem:v0+s20+$0x10 ss:$0x1], $0xffff;
	[tilespmem:s21+$0x30] =	vst v7  }
0x33: {  	[tilespmem:s21+$0xFFFFFFC0] =	vst v8;
	v6 =	vld.idx.msk [tilespmem:v0+s20+$0x20 ss:$0x1], $0xffff;
	s20 =	sshra.s32 s22, $0x2;
	s22 =	sadd.s32 $0x200, s22  }
0x34: {  	_ =	sdelay $0x2  }
0x35: {  	[tilespmem:s21+$0xFFFFFFD0] =	vst v5  }
0x36: {  	v56 =	vld.idx.msk [tilespmem:v0+s20+$0x30 ss:$0x1], $0xffff;
	[tilespmem:s21+$0xFFFFFFE0] =	vst v4  }
0x37: {  	v57 =	vld.idx.msk [tilespmem:v0+s20+$0xFFFFFFC0 ss:$0x1], $0xffff;
	[tilespmem:s21+$0xFFFFFFF0] =	vst v3  }
0x38: {  	v58 =	vld.idx.msk [tilespmem:v0+s20+$0xFFFFFFD0 ss:$0x1], $0xffff;
	[tilespmem:s21+$0x0] =	vst v1  }
0x39: {  	v59 =	vld.idx.msk [tilespmem:v0+s20+$0xFFFFFFE0 ss:$0x1], $0xffff;
	[tilespmem:s21+$0x10] =	vst v2  }
0x3a: {  	v60 =	vld.idx.msk [tilespmem:v0+s20+$0xFFFFFFF0 ss:$0x1], $0xffff;
	s31 =	sadd.s32 $0x200, s21;
	[tilespmem:s21+$0x20] =	vst v6  }
0x3b: {  	v61 =	vld.idx.msk [tilespmem:v0+s20+$0x0 ss:$0x1], $0xffff;
	[tilespmem:s31+$0x30] =	vst v56  }
0x3c: {  	v62 =	vld.idx.msk [tilespmem:v0+s20+$0x10 ss:$0x1], $0xffff;
	s19 =	sadd.s32 $0x1, s19;
	[tilespmem:s31+$0xFFFFFFC0] =	vst v57  }
0x3d: {  	v63 =	vld.idx.msk [tilespmem:v0+s20+$0x20 ss:$0x1], $0xffff;
	p0 =	sne.s32 s19, $0x4;
	[tilespmem:s31+$0xFFFFFFD0] =	vst v58  }
.Ltmp4:
0x3e: {  	[tilespmem:s31+$0xFFFFFFE0] =	vst v59;
	(pc) =	sbr.rel @p0 .LBB1_3-.Ltmp4, $4  }
0x3f: {  	[tilespmem:s31+$0xFFFFFFF0] =	vst v60  }
0x40: {  	[tilespmem:s31+$0x0] =	vst v61  }
0x41: {  	[tilespmem:s31+$0x10] =	vst v62  }
0x42: {  	s17 =	sadd.s32 $0x80, s17;
	s18 =	sadd.s32 $0x1000, s18;
	[tilespmem:s31+$0x20] =	vst v63  }
0x43: {  	s14 =	sand.u32 $0x1FFFFFF, s14  }
0x44: {  	s17 =	smulhi.u32 $0x14E5E0B, s14;
	_ =	sdelay $0x1  }
0x45: {  	s15 =	smul.u32 $0x62000, s15;
	s17 =	sshrl.u32 s17, $0x2  }
0x46: {  	s17 =	smul.u32 $0x310, s17  }
.Ltmp5:
0x47: {  	_ = 	snop;
	(pc) =	sbr.rel .LBB1_7-.Ltmp5, $4  }
0x48: {  	s14 =	ssub.s32 s14, s17  }
0x49: {  	s15 =	sadd.s32 s4, s15;
	s14 =	sshll.u32 s14, $0x4  }
0x4a: {  	s14 =	sadd.s32 s14, s15  }
0x4b: {  	[hbm4b:s14+s8] =	stream.strided.scatter [tilespmem:s16], [sflag:$0x2], $0x4000, s9, s8, $0x38;
	[tilespmem:$0x10000] =	vst v63  }
.LBB1_8:
0x4c: {  	_ =	sfence.sel $0x180000  }
0x4d: {  	s1 =	simm.s32 $0x1;
	[bflag:$0x0] =	sbarrier.arrive $0xFFFF  }
0x4e: {  	s31 =	simm.s32 $0x2;
	[sflag:s1] =	ssyncpa.u1 $0x1  }
0x4f: {  	[sflag:s31] =	ssyncpa.u1 $0x1  }
0x50: {  	p0 =	sne.s32 s2, $0x0;
	_ =	strace $0x90000047  }
0x51: {  	s0 =	sadd.s32 @!p0 $0x100000, s0;
	[bflag:$0x2] =	sbarrier.arrive $0xFFFF  }
0x52: {  	[sflag:s0] =	ssyncadd.tile.s32 @!p0 $0x1;
	_ =	shalt  }
.Lfunc_end1:
_tile_overlayer_lowered:
.L_overlay_start_2:
0x53: {  	(tag) =	ssettag $0x2  }
0x54: {  	s0 =	rddreg [dreg:$0x0];
	s2 =	stileid.u32  }
0x55: {  	s1 =	rddreg [dreg:$0x1];
	p0 =	sne.s32 s2, $0x0  }
0x56: {  	s3 =	rddreg [dreg:$0x2];
	[bflag:$0x3] =	sbarrier.arrive $0xFFFF;
	s2 =	simm.s32 @!p0 $0x1C01  }
0x57: {  	[timem:s3], [sflag:s2] =	dma.local @!p0 [hbm:s0], s1  }
0x58: {  	s0 =	simm.s32 @!p0 $0x1  }
0x59: {  	_ =	swait.ge @!p0 [sflag:s0], s1  }
0x5a: {  	s1 =	ssub.s32 @!p0 $0x0, s1;
	[sflag:s0] =	ssyncset.done @!p0 $0x0  }
0x5b: {  	[sflag:s0] =	ssyncadd.s32 @!p0 s1  }
0x5c: {  	[bflag:$0x3] =	sbarrier.arrive $0xFFFF  }
0x5d: {  	_ =	shalt  }

// kernel: sparse-core-data-format-call.cloned.1.call-start
scs
called_computation_lowered:
.L_overlay_start_0:
0x0: {  	s2 =	sld [smem:$0x3FD9]  }
0x1: {  	s3 =	sld [smem:$0x3FFE];
	_ =	sdelay $0x1  }
0x2: {  	s1 =	srdreg.scid  }
0x3: {  	s0 =	sand.u32 $0x1, s1  }
0x4: {  	s15 =	sshll.u32 s0, $0xA;
	s2 =	sadd.s32 s3, s2  }
0x5: {  	s2 =	sadd.s32 s2, s15  }
0x6: {  	[smem:$0x3FC6] =	sst s2  }
0x7: {  	_ = 	snop  }
0x8: {  	s2 =	sld [smem:$0x3FD0];
	_ =	sdelay $0x2  }
0x9: {  	s16 =	simm.s32 $0xA;
	s4 =	simm.s32 $0x10  }
0xa: {  	[smem:s4], [sflag:s16] =	dma.local [hbm:s2], $0x1  }
0xb: {  	_ =	swait.eq [sflag:s16], $0x1  }
0xc: {  	[sflag:s16] =	ssyncset.done $0x0  }
0xd: {  	[sflag:s16] =	ssyncadd.s32 $0xFFFFFFFF  }
0xe: {  	s17 =	sld [smem:$0x11];
	(tm) =	ssettm $0x1  }
0xf: {  	s18 =	sld [smem:$0x3FFB];
	_ =	sdelay $0x3  }
0x10: {  	_ =	strace s18  }
0x11: {  	s3 =	sld [smem:$0x3FFC];
	_ =	sdelay $0x3  }
0x12: {  	_ =	strace s3  }
0x13: {  	s3 =	sld [smem:$0x3FFD];
	_ =	sdelay $0x3  }
0x14: {  	_ =	strace s3  }
0x15: {  	_ =	strace $0x8FFFFFFF  }
0x16: {  	s19 =	sld [smem:$0x3FDB];
	_ =	sdelay $0x1  }
0x17: {  	s20 =	simm.s32 $_scs_section_size  }
0x18: {  	s5 =	simm.s32 $_size__tile_overlayer_lowered;
	s6 =	simm.s32 $_tile_overlayer_lowered  }
0x19: {  	s23 =	simm.s32 $0x1BFF;
	s22 =	sshll.u32 s6, $0x1;
	s3 =	sadd.s32 s20, s19  }
0x1a: {  	s7 =	simm.s32 $0x0;
	s21 =	sshll.u32 s5, $0x1;
	s5 =	sadd.s32 s22, s3  }
0x1b: {  	[timem:s7], [sflag:s23] =	dma.local [hbm:s5], s21  }
0x1c: {  	_ =	swait.ge [sflag:s23], s21  }
0x1d: {  	s4 =	ssub.s32 $0x0, s21;
	[sflag:s23] =	ssyncset.done $0x0  }
0x1e: {  	[sflag:s23] =	ssyncadd.s32 s4;
	_ =	sdelay $0x1  }
0x1f: {  	s24 =	simm.s32 $0x1B8B  }
0x20: {  	_ =	swait.ge [sflag:s24], $0x1  }
0x21: {  	[sflag:s24] =	ssyncset.done $0x0  }
0x22: {  	s26 =	simm.s32 $0x1B8E;
	s25 =	sld [smem:$0x3FFE];
	[sflag:s24] =	ssyncadd.s32 $0xFFFFFFFF  }
0x23: {  	s27 =	simm.s32 $execute0_lowered;
	[smem:$0x3FD2] =	sst s26  }
0x24: {  	s5 =	sshll.u32 s27, $0x1;
	_ =	strace $0x80000049;
	[dreg:$0x1] =	wrdreg $0xFFFFFFFF  }
0x25: {  	s28 =	simm.s32 $_size_execute0_lowered;
	s3 =	sadd.s32 s3, s5;
	[dreg:$0x0] =	wrdreg $0x0  }
0x26: {  	s5 =	sshll.u32 s28, $0x1;
	[dreg:$0x2] =	wrdreg s3  }
0x27: {  	[dreg:$0x3] =	wrdreg s5  }
0x28: {  	[dreg:$0x4] =	wrdreg $0xC0  }
0x29: {  	_ =	task [dreg:s7], $0x5FFFF  }
0x2a: {  	[dreg:$0x1] =	wrdreg $0xFFFFFFFF  }
0x2b: {  	[dreg:$0x0] =	wrdreg $0x60  }
0x2c: {  	[dreg:$0x2] =	wrdreg s25  }
0x2d: {  	[dreg:$0x3] =	wrdreg s17  }
0x2e: {  	[dreg:$0x4] =	wrdreg $0x9  }
0x2f: {  	_ =	task.clear_ibuf [dreg:s7], $0x5FFFF;
	_ =	strace $0x90000049  }
0x30: {  	s29 =	simm.s32 $0x9;
	_ =	strace $0x8000004B  }
0x31: {  	_ =	swait.ge [sflag:s29], $0x1  }
0x32: {  	[sflag:s29] =	ssyncadd.s32 $0xFFFFFFFF  }
0x33: {  	_ =	strace $0x9000004B  }
0x34: {  	_ =	sfence  }
0x35: {  	s30 =	sld [smem:$0x0];
	_ =	sdelay $0x2  }
0x36: {  	s31 =	sshll.u32 s1, $0xD;
	s1 =	sshrl.u32 s1, $0x2  }
0x37: {  	s3 =	sand.u32 $0x4000, s31;
	s1 =	sadd.s32 s1, s30  }
0x38: {  	s0 =	sor.u32 s3, s0;
	s1 =	sshll.u32 s1, $0x11  }
0x39: {  	s0 =	sor.u32 s1, s0  }
0x3a: {  	s0 =	sadd.s32 $0x8F2B, s0  }
0x3b: {  	[sflag:s0] =	ssyncadd.remote.s32 $0x1  }
0x3c: {  	_ =	sfence.sel $0xFFFF  }
0x3d: {  	[dreg:$0x0] =	wrdreg $0xFFFFFFFF;
	(pc) =	sbr.abs _section_cstart, $3  }
0x3e: {  	[dreg:$0x1] =	wrdreg $0xFFFFFFFF  }
0x3f: {  	_ =	task.clear_ibuf [dreg:s7], $0x2FFFF;
	_ =	strace $0x9FFFFFFF  }
0x40: {  	(tm) =	ssettm $0x7FFFFFFF  }
0x41: {  	_ =	shalt  }
tec
execute0_lowered:
.L_overlay_start_1:
0x0: {  	(tag) =	ssettag $0x1  }
0x1: {  	s0 =	stileid.u32;
	s1 =	srdreg.scid  }
0x2: {  	s7 =	rddreg [dreg:$0x0];
	s1 =	sshll.u32 s1, $0x4;
	s2 =	sshll.u32 s0, $0x3  }
0x3: {  	s8 =	simm.s32 $0x2;
	s3 =	sand.u32 $0x10, s1;
	s1 =	sand.u32 $0x8, s2  }
0x4: {  	s16 =	simm.s32 $0x0;
	s30 =	sor.u32 s0, s3;
	s4 =	ssub.s32 $0x10, s1  }
0x5: {  	s9 =	simm.s32 $0x400;
	s3 =	sshrl.u32 s30, $0x1;
	s31 =	sshrl.u32 s4, $0x3  }
0x6: {  	s5 =	sshrl.u32 s4, $0x4;
	s2 =	sand.u32 $0x1, s31;
	s6 =	ssub.s32 $0x2B, s3  }
0x7: {  	s10 =	simm.s32 $0x800;
	s5 =	sadd.s32 s5, s2;
	s6 =	sshrl.u32 s6, $0x4  }
0x8: {  	s11 =	simm.s32 $0x0;
	s17 =	simm.s32 $0x0;
	s6 =	smul.u32 s6, s5  }
.Ltmp0:
0x9: {  	s18 =	simm.s32 $0x0;
	s4 =	rddreg [dreg:$0x1];
	(pc) =	sbr.rel .LBB1_1-.Ltmp0, $4  }
0xa: {  	s12 =	simm.s32 $0x0;
	s15 =	simm.s32 $0x0;
	s2 =	rddreg [dreg:$0x2]  }
0xb: {  	_ =	strace $0x8000004A;
	s5 =	simm.s32 $0x1;
	s6 =	smul.u32 $0x31, s6  }
0xc: {  	s7 =	sadd.s32 $0x620E00, s7;
	s14 =	smov.u32 s1;
	[sflag:s5] =	ssyncpa.u1 $0x0  }
0xd: {  	s13 =	smov.u32 s3;
	[sflag:s8] =	ssyncpa.u1 $0x0;
	s8 =	sadd.s32 $0x1, s6  }
.LBB1_7:
0xe: {  	s19 =	sadd.s32 $0x10, s12  }
0xf: {  	s16 =	sadd.s32 $0x10, s13;
	s20 =	smov.u32 s13;
	p1 =	sgt.s32 s19, $0x30F  }
0x10: {  	s20 =	smov.u32 @p1 s16  }
0x11: {  	s22 =	smov.u32 s14;
	s16 =	sadd.s32 $0x10, s14;
	p2 =	sgt.s32 s20, $0x1B  }
0x12: {  	s22 =	smov.u32 @p2 s16  }
0x13: {  	s19 =	simm.s32 @p1 $0x0;
	p1 =	sgt.s32 s22, $0xF  }
0x14: {  	p0 =	slt.u32 s15, $0x2;
	s22 =	smov.u32 @p1 s1;
	p1 =	sne.s32 s15, s8  }
.Ltmp1:
0x15: {  	s21 =	simm.s32 @!p0 $0x2;
	(pc) =	sbr.rel @!p1 .LBB1_8-.Ltmp1, $4  }
0x16: {  	s17 =	smov.u32 s13;
	s18 =	smov.u32 s14;
	_ =	swait.ge @!p0 [sflag:s21], $0x4000  }
0x17: {  	s11 =	sadd.s32 $0x4000, s11;
	[sflag:s21] =	ssyncset.done @!p0 $0x0;
	s20 =	smov.u32 @p2 s3  }
0x18: {  	s16 =	smov.u32 s12;
	[sflag:s21] =	ssyncadd.s32 @!p0 $0xFFFFC000;
	s12 =	smov.u32 s19  }
0x19: {  	s13 =	smov.u32 s20;
	s15 =	sadd.s32 $0x1, s15;
	s14 =	smov.u32 s22  }
.LBB1_1:
0x1a: {  	p0 =	sge.u32 s15, s6  }
0x1b: {  	s19 =	sand.u32 @!p0 $0x1FFFFFF, s12  }
0x1c: {  	s20 =	smulhi.u32 @!p0 $0x14E5E0B, s19  }
0x1d: {  	s21 =	smul.u32 @!p0 $0x55C00, s14  }
0x1e: {  	s23 =	smul.u32 @!p0 $0x3100, s13;
	s20 =	sshrl.u32 @!p0 s20, $0x2  }
0x1f: {  	s20 =	smul.u32 @!p0 $0x310, s20  }
0x20: {  	s31 =	sadd.s32 $0xFFFFFFFF, s15;
	s21 =	sadd.s32 @!p0 s7, s21  }
0x21: {  	s22 =	sxor.u32 @!p0 $0xFFFFFFFF, s15;
	s21 =	sadd.s32 @!p0 s23, s21;
	s19 =	ssub.s32 @!p0 s19, s20  }
0x22: {  	s20 =	sshll.u32 @!p0 s22, $0xE;
	s22 =	simm.s32 @!p0 $0x2AE000;
	s19 =	sshll.u32 @!p0 s19, $0x4  }
0x23: {  	s20 =	sand.u32 @!p0 $0x4000, s20;
	s19 =	sadd.s32 @!p0 s19, s21;
	s21 =	simm.s32 @!p0 $0x800  }
0x24: {  	[tilespmem:s20], [sflag:$0x1] =	stream.strided.gather @!p0 [hbm4b:s19+s21], $0x4000, s22, s21, $0x38;
	[tilespmem:$0x10000] =	vst v63  }
0x25: {  	p0 =	sge.u32 s31, s6  }
.Ltmp2:
0x26: {  	_ = 	snop;
	(pc) =	sbr.rel @p0 .LBB1_7-.Ltmp2, $1  }
0x27: {  	_ =	sdelay $0x3  }
0x28: {  	s19 =	sand.u32 $0x4000, s11  }
0x29: {  	_ =	swait.ge [sflag:s5], $0x4000;
	s22 =	sshll.u32 s15, $0xE;
	s20 =	sor.u32 $0x8040, s19  }
0x2a: {  	s21 =	sor.u32 $0x40, s19;
	[sflag:s5] =	ssyncset.done $0x0;
	s31 =	sand.u32 $0x4000, s22  }
0x2b: {  	s22 =	simm.s32 $0x0;
	[sflag:s5] =	ssyncadd.s32 $0xFFFFC000;
	s19 =	sor.u32 $0x8000, s31  }
.LBB1_3:
0x2c: {  	v0 =	vmov s21;
	_ =	sdelay $0x3  }
0x2d: {  	s24 =	simm.s32 $0x0  }
0x2e: {  	v6 =	vld.idx.msk [tilespmem:v0+s24+$0x30 ss:$0x1], $0xffff  }
0x2f: {  	v7 =	vld.idx.msk [tilespmem:v0+s24+$0xFFFFFFC0 ss:$0x1], $0xffff  }
0x30: {  	v5 =	vld.idx.msk [tilespmem:v0+s24+$0xFFFFFFD0 ss:$0x1], $0xffff  }
0x31: {  	v4 =	vld.idx.msk [tilespmem:v0+s24+$0xFFFFFFE0 ss:$0x1], $0xffff  }
0x32: {  	v3 =	vld.idx.msk [tilespmem:v0+s24+$0xFFFFFFF0 ss:$0x1], $0xffff  }
0x33: {  	v1 =	vld.idx.msk [tilespmem:v0+s24+$0x0 ss:$0x1], $0xffff  }
0x34: {  	v2 =	vld.idx.msk [tilespmem:v0+s24+$0x10 ss:$0x1], $0xffff;
	[tilespmem:s20+$0x30] =	vst v6  }
0x35: {  	s23 =	simm.s32 $0x80;
	s25 =	simm.s32 $0x400;
	[tilespmem:s20+$0xFFFFFFC0] =	vst v7;
	v6 =	vld.idx.msk [tilespmem:v0+s24+$0x20 ss:$0x1], $0xffff;
	s24 =	smov.u32 s20  }
.LBB1_4:
0x36: {  	p0 =	sne.s32 s25, $0x1E00;
	v7 =	vld.idx.msk [tilespmem:v0+s23+$0x30 ss:$0x1], $0xffff;
	[tilespmem:s24+$0xFFFFFFD0] =	vst v5  }
0x37: {  	v8 =	vld.idx.msk [tilespmem:v0+s23+$0xFFFFFFC0 ss:$0x1], $0xffff;
	[tilespmem:s24+$0xFFFFFFE0] =	vst v4  }
0x38: {  	v5 =	vld.idx.msk [tilespmem:v0+s23+$0xFFFFFFD0 ss:$0x1], $0xffff;
	[tilespmem:s24+$0xFFFFFFF0] =	vst v3  }
.Ltmp3:
0x39: {  	v4 =	vld.idx.msk [tilespmem:v0+s23+$0xFFFFFFE0 ss:$0x1], $0xffff;
	[tilespmem:s24+$0x0] =	vst v1;
	(pc) =	sbr.rel @p0 .LBB1_4-.Ltmp3, $4  }
0x3a: {  	v3 =	vld.idx.msk [tilespmem:v0+s23+$0xFFFFFFF0 ss:$0x1], $0xffff;
	[tilespmem:s24+$0x10] =	vst v2  }
0x3b: {  	v1 =	vld.idx.msk [tilespmem:v0+s23+$0x0 ss:$0x1], $0xffff;
	[tilespmem:s24+$0x20] =	vst v6;
	s24 =	sadd.s32 $0x400, s24  }
0x3c: {  	v2 =	vld.idx.msk [tilespmem:v0+s23+$0x10 ss:$0x1], $0xffff;
	[tilespmem:s24+$0x30] =	vst v7  }
0x3d: {  	[tilespmem:s24+$0xFFFFFFC0] =	vst v8;
	v6 =	vld.idx.msk [tilespmem:v0+s23+$0x20 ss:$0x1], $0xffff;
	s23 =	sshra.s32 s25, $0x2;
	s25 =	sadd.s32 $0x200, s25  }
0x3e: {  	_ =	sdelay $0x2  }
0x3f: {  	[tilespmem:s24+$0xFFFFFFD0] =	vst v5  }
0x40: {  	v56 =	vld.idx.msk [tilespmem:v0+s23+$0x30 ss:$0x1], $0xffff;
	[tilespmem:s24+$0xFFFFFFE0] =	vst v4  }
0x41: {  	v57 =	vld.idx.msk [tilespmem:v0+s23+$0xFFFFFFC0 ss:$0x1], $0xffff;
	[tilespmem:s24+$0xFFFFFFF0] =	vst v3  }
0x42: {  	v58 =	vld.idx.msk [tilespmem:v0+s23+$0xFFFFFFD0 ss:$0x1], $0xffff;
	[tilespmem:s24+$0x0] =	vst v1  }
0x43: {  	v59 =	vld.idx.msk [tilespmem:v0+s23+$0xFFFFFFE0 ss:$0x1], $0xffff;
	[tilespmem:s24+$0x10] =	vst v2  }
0x44: {  	v60 =	vld.idx.msk [tilespmem:v0+s23+$0xFFFFFFF0 ss:$0x1], $0xffff;
	s31 =	sadd.s32 $0x400, s24;
	[tilespmem:s24+$0x20] =	vst v6  }
0x45: {  	v61 =	vld.idx.msk [tilespmem:v0+s23+$0x0 ss:$0x1], $0xffff;
	[tilespmem:s31+$0x30] =	vst v56  }
0x46: {  	v62 =	vld.idx.msk [tilespmem:v0+s23+$0x10 ss:$0x1], $0xffff;
	s22 =	sadd.s32 $0x1, s22;
	[tilespmem:s31+$0xFFFFFFC0] =	vst v57  }
0x47: {  	v63 =	vld.idx.msk [tilespmem:v0+s23+$0x20 ss:$0x1], $0xffff;
	p0 =	sne.s32 s22, $0x8;
	[tilespmem:s31+$0xFFFFFFD0] =	vst v58  }
.Ltmp4:
0x48: {  	[tilespmem:s31+$0xFFFFFFE0] =	vst v59;
	(pc) =	sbr.rel @p0 .LBB1_3-.Ltmp4, $4  }
0x49: {  	[tilespmem:s31+$0xFFFFFFF0] =	vst v60  }
0x4a: {  	[tilespmem:s31+$0x0] =	vst v61  }
0x4b: {  	[tilespmem:s31+$0x10] =	vst v62  }
0x4c: {  	s20 =	sadd.s32 $0x80, s20;
	s21 =	sadd.s32 $0x800, s21;
	[tilespmem:s31+$0x20] =	vst v63  }
0x4d: {  	s17 =	smul.u32 $0x31000, s17  }
.Ltmp5:
0x4e: {  	s18 =	sshll.u32 s18, $0x4;
	(pc) =	sbr.rel .LBB1_7-.Ltmp5, $4  }
0x4f: {  	s18 =	sand.u32 $0xF0, s18;
	s17 =	sadd.s32 s4, s17  }
0x50: {  	s16 =	sshll.u32 s16, $0x8;
	s17 =	sadd.s32 s18, s17  }
0x51: {  	s16 =	sadd.s32 s16, s17  }
0x52: {  	[hbm4b:s16+s9] =	stream.strided.scatter [tilespmem:s19], [sflag:$0x2], $0x4000, s10, s9, $0x38;
	[tilespmem:$0x10000] =	vst v63  }
.LBB1_8:
0x53: {  	_ =	sfence.sel $0x180000  }
0x54: {  	s1 =	simm.s32 $0x1;
	[bflag:$0x0] =	sbarrier.arrive $0xFFFF  }
0x55: {  	s31 =	simm.s32 $0x2;
	[sflag:s1] =	ssyncpa.u1 $0x1  }
0x56: {  	[sflag:s31] =	ssyncpa.u1 $0x1  }
0x57: {  	p0 =	sne.s32 s0, $0x0;
	_ =	strace $0x9000004A  }
0x58: {  	s0 =	sadd.s32 @!p0 $0x100000, s2;
	[bflag:$0x2] =	sbarrier.arrive $0xFFFF  }
0x59: {  	[sflag:s0] =	ssyncadd.tile.s32 @!p0 $0x1;
	_ =	shalt  }
.Lfunc_end1:
_tile_overlayer_lowered:
.L_overlay_start_2:
0x5a: {  	(tag) =	ssettag $0x2  }
0x5b: {  	s0 =	rddreg [dreg:$0x0];
	s2 =	stileid.u32  }
0x5c: {  	s1 =	rddreg [dreg:$0x1];
	p0 =	sne.s32 s2, $0x0  }
0x5d: {  	s3 =	rddreg [dreg:$0x2];
	[bflag:$0x3] =	sbarrier.arrive $0xFFFF;
	s2 =	simm.s32 @!p0 $0x1C01  }
0x5e: {  	[timem:s3], [sflag:s2] =	dma.local @!p0 [hbm:s0], s1  }
0x5f: {  	s0 =	simm.s32 @!p0 $0x1  }
0x60: {  	_ =	swait.ge @!p0 [sflag:s0], s1  }
0x61: {  	s1 =	ssub.s32 @!p0 $0x0, s1;
	[sflag:s0] =	ssyncset.done @!p0 $0x0  }
0x62: {  	[sflag:s0] =	ssyncadd.s32 @!p0 s1  }
0x63: {  	[bflag:$0x3] =	sbarrier.arrive $0xFFFF  }
0x64: {  	_ =	shalt  }

</sc_bundles>
